<compile_context>
chip_gen: v7x
topology: tpu7x:2x2x1
jax: 0.10.2.dev20260603
libtpu: 0.0.44.dev20260713+nightly
codegen_flags: <defaults>
</compile_context>

<pallas_src>
import functools

import jax
import jax.numpy as jnp
from jax import lax
from jax.experimental import pallas as pl
from jax.experimental.pallas import tpu as pltpu
from jax.experimental.pallas import tpu_sc as plsc

_NC = 2
_NS = 16
_NW = _NC * _NS
_BN_EPS = 1e-5



@functools.partial(jax.jit, static_argnums=(3, 4, 5))
def _edge_agg(x, src_g, dst_g, n_pad, k, c):
    d = x.shape[1]
    rows_per_tile = n_pad // _NS
    zr = 64
    mesh = plsc.VectorSubcoreMesh(core_axis_name="c", subcore_axis_name="s")

    def body(x_hbm, src_hbm, dst_hbm, z_hbm, out_hbm, sidx, didx, buf, zbuf,
             acc, sem):
        ci = lax.axis_index("c")
        si = lax.axis_index("s")
        wid = si * _NC + ci

        pltpu.sync_copy(z_hbm, zbuf)

        def zacc(t, carry):
            pltpu.sync_copy(zbuf, acc.at[pl.ds(si * rows_per_tile + t * zr, zr)])
            return carry

        lax.fori_loop(0, rows_per_tile // zr, zacc, 0, unroll=False)

        pltpu.sync_copy(src_hbm.at[wid], sidx)
        pltpu.sync_copy(dst_hbm.at[wid], didx)
        plsc.subcore_barrier()

        def chunk(kk, carry):
            pltpu.async_copy(x_hbm.at[sidx.at[kk]], buf, sem).wait()
            pltpu.sync_copy(buf, acc.at[didx.at[kk]], add=True)
            return carry

        lax.fori_loop(0, k, chunk, 0, unroll=False)
        plsc.subcore_barrier()

        def wout(t, carry):
            base = si * rows_per_tile + t * c
            pltpu.sync_copy(acc.at[pl.ds(base, c)], buf)
            pltpu.sync_copy(buf, out_hbm.at[ci, pl.ds(base, c)])
            return carry

        lax.fori_loop(0, rows_per_tile // c, wout, 0, unroll=False)

    zeros = jnp.zeros((zr, d), jnp.float32)
    call = pl.kernel(
        body,
        out_type=jax.ShapeDtypeStruct((_NC, n_pad, d), jnp.float32),
        mesh=mesh,
        scratch_types=[
            pltpu.VMEM((k, c), jnp.int32),
            pltpu.VMEM((k, c), jnp.int32),
            pltpu.VMEM((c, d), jnp.float32),
            pltpu.VMEM((zr, d), jnp.float32),
            pltpu.VMEM_SHARED((n_pad, d), jnp.float32),
            pltpu.SemaphoreType.DMA,
        ],
    )
    return call(x, src_g, dst_g, zeros)



def _mm(a, b):
    return lax.dot_general(a, b, (((1,), (0,)), ((), ())),
                           preferred_element_type=jnp.float32)


def _ohmm(oh, m):
    ohb = oh.astype(jnp.bfloat16)

    def dg(v):
        return lax.dot_general(ohb, v, (((1,), (0,)), ((), ())),
                               preferred_element_type=jnp.float32)

    m1 = m.astype(jnp.bfloat16)
    r = m - m1.astype(jnp.float32)
    m2 = r.astype(jnp.bfloat16)
    r2 = r - m2.astype(jnp.float32)
    m3 = r2.astype(jnp.bfloat16)
    m4 = (r2 - m3.astype(jnp.float32)).astype(jnp.bfloat16)
    return dg(m1) + (dg(m2) + (dg(m3) + dg(m4)))


def _fold8(a):
    a = a[0:4] + a[4:8]
    a = a[0:2] + a[2:4]
    return a[0:1] + a[1:2]


def _winsum(ref, n, transform):
    f = ref.shape[1]
    z = jnp.zeros((8, f), jnp.float32)
    wrows = 1920
    total = jnp.zeros((1, f), jnp.float32)
    base = 0
    while base < n:
        rows = min(wrows, n - base)
        b0 = base

        def body(i, a):
            return a + transform(ref[pl.ds(b0 + 8 * i, 8), :])

        acc = lax.fori_loop(0, rows // 8, body, z)
        total = total + _fold8(acc)
        base += rows
    return total


def _mean_var_big(ref, n):
    inv = jnp.float32(1.0 / n)
    m = _winsum(ref, n, lambda x: x) * inv

    def sqdev(x):
        d = x - m
        return d * d

    v = _winsum(ref, n, sqdev) * inv
    return m, v


def _bn_big(h, g, b, scratch, n):
    scratch[...] = h
    m, v = _mean_var_big(scratch, n)
    return g * (scratch[...] - m) * lax.rsqrt(v + _BN_EPS) + b


def _mean_var_64(h):
    acc = h[0:8]
    for kk in range(1, 8):
        acc = acc + h[8 * kk:8 * (kk + 1)]
    m = _fold8(acc) * jnp.float32(1.0 / 64)
    hc = h - m
    sq = hc * hc
    acc2 = sq[0:8]
    for kk in range(1, 8):
        acc2 = acc2 + sq[8 * kk:8 * (kk + 1)]
    v = _fold8(acc2) * jnp.float32(1.0 / 64)
    return m, v


def _bn_64(h, g, b):
    m, v = _mean_var_64(h)
    return g * (h - m) * lax.rsqrt(v + _BN_EPS) + b


def _conv_mlp(h, wa, ba, g1, b1, wb, bb, s_wide, n):
    h = _mm(h, wa) + ba
    h = _bn_big(h, g1, b1, s_wide, n)
    h = jnp.maximum(h, 0.0)
    return _mm(h, wb) + bb


def _tc1_body(n, x_ref, agg_ref, wa, ba, g1, b1, wb, bb, bg, bb2, vemb, out,
              s_wide, s_narrow):
    a = agg_ref[0, pl.ds(0, n), :] + agg_ref[1, pl.ds(0, n), :]
    h = x_ref[...] + a
    h = _conv_mlp(h, wa[...], ba[...], g1[...], b1[...], wb[...], bb[...],
                  s_wide, n)
    h = _bn_big(h, bg[...], bb2[...], s_narrow, n)
    h = jnp.maximum(h, 0.0)
    out[...] = h + vemb[...]


def _tc2_body(n, g, y_ref, agg_ref, wa, ba, g1, b1, wb, bb, bg, bb2,
              mw1, mb1, mg1, mbe1, mw2, mb2, mg2, mbe2, vemb,
              bcol, brow, out, s_wide, s_narrow):
    a = agg_ref[0, pl.ds(0, n), :] + agg_ref[1, pl.ds(0, n), :]
    h = y_ref[...] + a
    h = _conv_mlp(h, wa[...], ba[...], g1[...], b1[...], wb[...], bb[...],
                  s_wide, n)
    h = _bn_big(h, bg[...], bb2[...], s_narrow, n)
    post = jnp.maximum(h, 0.0)

    oh = (bcol[...] == lax.broadcasted_iota(jnp.int32, (n, g), 1)
          ).astype(jnp.float32)
    oht = (brow[...] == lax.broadcasted_iota(jnp.int32, (g, n), 0)
           ).astype(jnp.float32)

    pooled = _ohmm(oht, post)
    v0 = jnp.broadcast_to(vemb[...], pooled.shape)
    hv = _mm(pooled + v0, mw1[...]) + mb1[...]
    hv = _bn_64(hv, mg1[...], mbe1[...])
    hv = jnp.maximum(hv, 0.0)
    hv = _mm(hv, mw2[...]) + mb2[...]
    hv = _bn_64(hv, mg2[...], mbe2[...])
    v1 = jnp.maximum(hv, 0.0)

    out[...] = post + _ohmm(oh, v1)


def _tc3_body(n, g, y_ref, agg_ref, wa, ba, g1, b1, wb, bb, bg, bb2,
              brow, out, s_wide, s_narrow):
    a = agg_ref[0, pl.ds(0, n), :] + agg_ref[1, pl.ds(0, n), :]
    h = y_ref[...] + a
    h = _conv_mlp(h, wa[...], ba[...], g1[...], b1[...], wb[...], bb[...],
                  s_wide, n)
    post = _bn_big(h, bg[...], bb2[...], s_narrow, n)

    oht = (brow[...] == lax.broadcasted_iota(jnp.int32, (g, n), 0)
           ).astype(jnp.float32)
    pooled = _ohmm(oht, post)
    counts = jnp.sum(oht, axis=1, keepdims=True)
    out[...] = pooled / jnp.maximum(counts, 1.0)


def _conv_args(p):
    f1 = p['Wa'].shape[1]
    f2 = p['Wb'].shape[1]
    return (p['Wa'], p['ba'].reshape(1, f1), p['g1'].reshape(1, f1),
            p['b1'].reshape(1, f1), p['Wb'], p['bb'].reshape(1, f2))


def _bn_args(p):
    f = p['g'].shape[0]
    return (p['g'].reshape(1, f), p['b'].reshape(1, f))



def kernel(x, edge_index, batch, params):
    n, d = x.shape
    e = edge_index.shape[1]
    g = 64

    c = 128
    k = -(-e // (_NW * c))
    e_pad = _NW * k * c
    n_pad = -(-n // (_NS * 64)) * (_NS * 64)

    order = jnp.argsort(edge_index[1], stable=True)
    src_e = edge_index[0][order]
    dst_e = edge_index[1][order]
    src = jnp.concatenate(
        [src_e, jnp.zeros((e_pad - e,), jnp.int32)]).reshape(_NW, k, c)
    dst = jnp.concatenate(
        [dst_e, jnp.full((e_pad - e,), n, jnp.int32)]).reshape(_NW, k, c)

    bcol = batch.reshape(n, 1)
    brow = batch.reshape(1, n)
    vemb = params['vemb'][0].reshape(1, d)
    mlp = params['vmlp']
    f1 = mlp['W1'].shape[1]
    f2 = mlp['W2'].shape[1]
    scratch = [pltpu.VMEM((n, 2 * d), jnp.float32),
               pltpu.VMEM((n, d), jnp.float32)]

    agg1 = _edge_agg(x, src, dst, n_pad, k, c)
    y1 = pl.pallas_call(
        functools.partial(_tc1_body, n),
        out_shape=jax.ShapeDtypeStruct((n, d), jnp.float32),
        scratch_shapes=scratch,
    )(x, agg1, *_conv_args(params['conv1']), *_bn_args(params['bn1']), vemb)

    agg2 = _edge_agg(y1, src, dst, n_pad, k, c)
    y2 = pl.pallas_call(
        functools.partial(_tc2_body, n, g),
        out_shape=jax.ShapeDtypeStruct((n, d), jnp.float32),
        scratch_shapes=scratch,
    )(y1, agg2, *_conv_args(params['convs'][0]), *_bn_args(params['bns'][0]),
      mlp['W1'], mlp['b1'].reshape(1, f1), mlp['g1'].reshape(1, f1),
      mlp['be1'].reshape(1, f1), mlp['W2'], mlp['b2'].reshape(1, f2),
      mlp['g2'].reshape(1, f2), mlp['be2'].reshape(1, f2), vemb, bcol, brow)

    agg3 = _edge_agg(y2, src, dst, n_pad, k, c)
    out = pl.pallas_call(
        functools.partial(_tc3_body, n, g),
        out_shape=jax.ShapeDtypeStruct((g, d), jnp.float32),
        scratch_shapes=scratch,
    )(y2, agg3, *_conv_args(params['convs'][1]), *_bn_args(params['bns'][1]),
      brow)
    return out

# --- scband reference (transcript-rebuilt; emitter-appended) ---
"""Pipeline reference for scband-v-ginencoder-layerwise-65111704207434 (READ-ONLY COPY).

The authoritative reference and input builder live on the scoring server;
editing this copy changes nothing except your own understanding.
"""

import jax, jax.numpy as jnp
import numpy as np

N = 10000
E = 320000
D = 128
H = 128
G = 64
BN_EPS = 1e-5


def _bn(x, g, b):
    m = jnp.mean(x, axis=0)
    v = jnp.var(x, axis=0)
    return g * (x - m) * jax.lax.rsqrt(v + BN_EPS) + b


def _gin_conv(x, edge_index, p):
    # PyG GINConv with eps=0: MLP((1+eps)*x + sum_{j in N(i)} x_j)
    src = edge_index[0]
    dst = edge_index[1]
    agg = jax.ops.segment_sum(x[src], dst, num_segments=x.shape[0])
    h = x + agg
    h = h @ p['Wa'] + p['ba']
    h = _bn(h, p['g1'], p['b1'])
    h = jax.nn.relu(h)
    return h @ p['Wb'] + p['bb']


def _vmlp(v, p):
    h = v @ p['W1'] + p['b1']
    h = _bn(h, p['g1'], p['be1'])
    h = jax.nn.relu(h)
    h = h @ p['W2'] + p['b2']
    h = _bn(h, p['g2'], p['be2'])
    h = jax.nn.relu(h)
    return h  # dropout is identity in eval mode


def _forward(x, params, edge_index, batch):
    post = _gin_conv(x, edge_index, params['conv1'])
    post = _bn(post, params['bn1']['g'], params['bn1']['b'])
    post = jax.nn.relu(post)
    # virtual_node_embedding(zeros(num_graphs)) -> row 0 of embedding, tiled per graph
    v = jnp.tile(params['vemb'][0][None, :], (G, 1))
    n_layers = len(params['convs'])
    for i in range(n_layers):
        post = post + v[batch]
        post = _gin_conv(post, edge_index, params['convs'][i])
        post = _bn(post, params['bns'][i]['g'], params['bns'][i]['b'])
        if i < n_layers - 1:
            post = jax.nn.relu(post)
        if i < n_layers - 1:
            pooled = jax.ops.segment_sum(post, batch, num_segments=G)
            v = _vmlp(pooled + v, params['vmlp'])
    counts = jax.ops.segment_sum(jnp.ones((post.shape[0],), jnp.float32), batch, num_segments=G)
    out = jax.ops.segment_sum(post, batch, num_segments=G) / jnp.maximum(counts, 1.0)[:, None]
    return out


def setup_inputs(seed: int = 0):
    key = jax.random.key(seed)
    ks = jax.random.split(key, 16)
    x = jax.random.normal(ks[0], (N, D), dtype=jnp.float32)
    edge_index = jax.random.randint(ks[1], (2, E), 0, N, dtype=jnp.int32)
    batch = jnp.sort(jax.random.randint(ks[2], (N,), 0, G, dtype=jnp.int32))
    batch = batch.at[-1].set(G - 1)

    def lin(k, fi, fo):
        return jax.random.normal(k, (fi, fo), jnp.float32) * (1.0 / np.sqrt(fi))

    def conv_params(k, din):
        kk = jax.random.split(k, 2)
        return {'Wa': lin(kk[0], din, 2 * H), 'ba': jnp.zeros((2 * H,), jnp.float32),
                'g1': jnp.ones((2 * H,), jnp.float32), 'b1': jnp.zeros((2 * H,), jnp.float32),
                'Wb': lin(kk[1], 2 * H, H), 'bb': jnp.zeros((H,), jnp.float32)}

    params = {
        'conv1': conv_params(ks[3], D),
        'bn1': {'g': jnp.ones((H,), jnp.float32), 'b': jnp.zeros((H,), jnp.float32)},
        'convs': [conv_params(ks[4], H), conv_params(ks[5], H)],
        'bns': [{'g': jnp.ones((H,), jnp.float32), 'b': jnp.zeros((H,), jnp.float32)} for _ in range(2)],
        'vemb': jax.random.normal(ks[6], (1, H), jnp.float32),
        'vmlp': {'W1': lin(ks[7], H, 2 * H), 'b1': jnp.zeros((2 * H,), jnp.float32),
                 'g1': jnp.ones((2 * H,), jnp.float32), 'be1': jnp.zeros((2 * H,), jnp.float32),
                 'W2': lin(ks[8], 2 * H, H), 'b2': jnp.zeros((H,), jnp.float32),
                 'g2': jnp.ones((H,), jnp.float32), 'be2': jnp.zeros((H,), jnp.float32)},
    }
    return {'x': x, 'edge_index': edge_index, 'batch': batch, 'params': params}


def reference(x, edge_index, batch, params):
    return _forward(x, params, edge_index, batch)

if __name__ == "__main__":
    import jax
    _d = setup_inputs()
    print(jax.jit(kernel)(*tuple(_d.values())))

</pallas_src>

<mosaic_0001>
#map = affine_map<(d0, d1) -> (0, 0)>
#map1 = affine_map<(d0, d1) -> (0, 0, 0)>
module attributes {stable_mosaic.version = 14 : i64} {
  func.func @body(%arg0: i32, %arg1: i32, %arg2: memref<10000x128xf32, #tpu.memory_space<hbm>>, %arg3: memref<32x79x128xi32, #tpu.memory_space<hbm>>, %arg4: memref<32x79x128xi32, #tpu.memory_space<hbm>>, %arg5: memref<64x128xf32, #tpu.memory_space<hbm>>, %arg6: memref<2x10240x128xf32, #tpu.memory_space<hbm>>, %arg7: memref<79x128xi32, #tpu.memory_space<vmem>>, %arg8: memref<79x128xi32, #tpu.memory_space<vmem>>, %arg9: memref<128x128xf32, #tpu.memory_space<vmem>>, %arg10: memref<64x128xf32, #tpu.memory_space<vmem>>, %arg11: memref<10240x128xf32, #tpu.memory_space<vmem_shared>>, %arg12: memref<!tpu.dma_semaphore, #tpu.memory_space<semaphore_mem>>) attributes {dimension_semantics = [#tpu.dimension_semantics<core_parallel>, #tpu.dimension_semantics<subcore_parallel>], iteration_bounds = array<i64: 2, 16>, scalar_prefetch = 0 : i64, scratch_operands = 6 : i64, tpu.core_type = #tpu.core_type<sc_vector_subcore>, window_params = [{transform_indices = #map}, {transform_indices = #map1}, {transform_indices = #map1}, {transform_indices = #map}, {transform_indices = #map1}]} {
    %mul3A = arith.constant 2 : i32
    %mul3A_0 = arith.muli %arg1, %mul3A : i32
    %add3A = arith.addi %mul3A_0, %arg0 : i32
    "tpu.region"() ({
      %run_scoped3A = tpu.sem_alloc : memref<!tpu.dma_semaphore, #tpu.memory_space<semaphore_mem>>
      tpu.enqueue_dma source(%arg5 : memref<64x128xf32, #tpu.memory_space<hbm>>) target(%arg10 : memref<64x128xf32, #tpu.memory_space<vmem>>) target_semaphore(%run_scoped3A : memref<!tpu.dma_semaphore, #tpu.memory_space<semaphore_mem>>)
      tpu.wait_dma2 semaphore(%run_scoped3A : memref<!tpu.dma_semaphore, #tpu.memory_space<semaphore_mem>>) src(%arg5 : memref<64x128xf32, #tpu.memory_space<hbm>>) dst(%arg10 : memref<64x128xf32, #tpu.memory_space<vmem>>)
      tpu.yield
    }) : () -> ()
    %scan3A = arith.constant 0 : i32
    %scan3A_1 = arith.constant 0 : i32
    %scan3A_2 = arith.constant 10 : i32
    %scan3A_3 = arith.addi %scan3A_1, %scan3A_2 : i32
    %scan3A_4 = arith.constant 1 : i32
    scf.for %scan3A_19 = %scan3A_1 to %scan3A_3 step %scan3A_4  : i32 {
      %mul3A_20 = arith.constant 640 : i32
      %mul3A_21 = arith.muli %arg1, %mul3A_20 : i32
      %mul3A_22 = arith.constant 64 : i32
      %mul3A_23 = arith.muli %scan3A_19, %mul3A_22 : i32
      %add3A_24 = arith.addi %mul3A_21, %mul3A_23 : i32
      "tpu.region"() ({
        %run_scoped3A = tpu.sem_alloc : memref<!tpu.dma_semaphore, #tpu.memory_space<semaphore_mem>>
        %dma_start3A = arith.constant 0 : i32
        %dma_start3A_25 = tpu.memref_slice %arg11[%add3A_24, %dma_start3A] : memref<10240x128xf32, #tpu.memory_space<vmem_shared>> -> memref<64x128xf32, #tpu.memory_space<vmem_shared>>
        %dma_start3A_26 = arith.constant 0 : i32
        %dma_start3A_27 = tpu.memref_slice %arg11[%add3A_24, %dma_start3A_26] : memref<10240x128xf32, #tpu.memory_space<vmem_shared>> -> memref<64x128xf32, #tpu.memory_space<vmem_shared>>
        tpu.enqueue_dma source(%arg10 : memref<64x128xf32, #tpu.memory_space<vmem>>) target(%dma_start3A_27 : memref<64x128xf32, #tpu.memory_space<vmem_shared>>) target_semaphore(%run_scoped3A : memref<!tpu.dma_semaphore, #tpu.memory_space<semaphore_mem>>)
        %dma_wait3A = arith.constant 0 : i32
        %dma_wait3A_28 = tpu.memref_slice %arg11[%add3A_24, %dma_wait3A] : memref<10240x128xf32, #tpu.memory_space<vmem_shared>> -> memref<64x128xf32, #tpu.memory_space<vmem_shared>>
        %dma_wait3A_29 = arith.constant 0 : i32
        %dma_wait3A_30 = tpu.memref_slice %arg11[%add3A_24, %dma_wait3A_29] : memref<10240x128xf32, #tpu.memory_space<vmem_shared>> -> memref<64x128xf32, #tpu.memory_space<vmem_shared>>
        tpu.wait_dma2 semaphore(%run_scoped3A : memref<!tpu.dma_semaphore, #tpu.memory_space<semaphore_mem>>) src(%arg10 : memref<64x128xf32, #tpu.memory_space<vmem>>) dst(%dma_wait3A_30 : memref<64x128xf32, #tpu.memory_space<vmem_shared>>)
        tpu.yield
      }) : () -> ()
    }
    %scan3A_5 = arith.constant 10 : i32
    "tpu.region"() ({
      %run_scoped3A = tpu.sem_alloc : memref<!tpu.dma_semaphore, #tpu.memory_space<semaphore_mem>>
      %dma_start3A = arith.constant 0 : i32
      %dma_start3A_19 = arith.constant 0 : i32
      %dma_start3A_20 = tpu.memref_slice %arg3[%add3A, %dma_start3A, %dma_start3A_19] : memref<32x79x128xi32, #tpu.memory_space<hbm>> -> memref<1x79x128xi32, #tpu.memory_space<hbm>>
      %dma_start3A_21 = tpu.memref_squeeze %dma_start3A_20 : memref<1x79x128xi32, #tpu.memory_space<hbm>> -> memref<79x128xi32, #tpu.memory_space<hbm>>
      %dma_start3A_22 = arith.constant 0 : i32
      %dma_start3A_23 = arith.constant 0 : i32
      %dma_start3A_24 = tpu.memref_slice %arg3[%add3A, %dma_start3A_22, %dma_start3A_23] : memref<32x79x128xi32, #tpu.memory_space<hbm>> -> memref<1x79x128xi32, #tpu.memory_space<hbm>>
      %dma_start3A_25 = tpu.memref_squeeze %dma_start3A_24 : memref<1x79x128xi32, #tpu.memory_space<hbm>> -> memref<79x128xi32, #tpu.memory_space<hbm>>
      tpu.enqueue_dma source(%dma_start3A_25 : memref<79x128xi32, #tpu.memory_space<hbm>>) target(%arg7 : memref<79x128xi32, #tpu.memory_space<vmem>>) target_semaphore(%run_scoped3A : memref<!tpu.dma_semaphore, #tpu.memory_space<semaphore_mem>>)
      %dma_wait3A = arith.constant 0 : i32
      %dma_wait3A_26 = arith.constant 0 : i32
      %dma_wait3A_27 = tpu.memref_slice %arg3[%add3A, %dma_wait3A, %dma_wait3A_26] : memref<32x79x128xi32, #tpu.memory_space<hbm>> -> memref<1x79x128xi32, #tpu.memory_space<hbm>>
      %dma_wait3A_28 = tpu.memref_squeeze %dma_wait3A_27 : memref<1x79x128xi32, #tpu.memory_space<hbm>> -> memref<79x128xi32, #tpu.memory_space<hbm>>
      %dma_wait3A_29 = arith.constant 0 : i32
      %dma_wait3A_30 = arith.constant 0 : i32
      %dma_wait3A_31 = tpu.memref_slice %arg3[%add3A, %dma_wait3A_29, %dma_wait3A_30] : memref<32x79x128xi32, #tpu.memory_space<hbm>> -> memref<1x79x128xi32, #tpu.memory_space<hbm>>
      %dma_wait3A_32 = tpu.memref_squeeze %dma_wait3A_31 : memref<1x79x128xi32, #tpu.memory_space<hbm>> -> memref<79x128xi32, #tpu.memory_space<hbm>>
      tpu.wait_dma2 semaphore(%run_scoped3A : memref<!tpu.dma_semaphore, #tpu.memory_space<semaphore_mem>>) src(%dma_wait3A_32 : memref<79x128xi32, #tpu.memory_space<hbm>>) dst(%arg7 : memref<79x128xi32, #tpu.memory_space<vmem>>)
      tpu.yield
    }) : () -> ()
    "tpu.region"() ({
      %run_scoped3A = tpu.sem_alloc : memref<!tpu.dma_semaphore, #tpu.memory_space<semaphore_mem>>
      %dma_start3A = arith.constant 0 : i32
      %dma_start3A_19 = arith.constant 0 : i32
      %dma_start3A_20 = tpu.memref_slice %arg4[%add3A, %dma_start3A, %dma_start3A_19] : memref<32x79x128xi32, #tpu.memory_space<hbm>> -> memref<1x79x128xi32, #tpu.memory_space<hbm>>
      %dma_start3A_21 = tpu.memref_squeeze %dma_start3A_20 : memref<1x79x128xi32, #tpu.memory_space<hbm>> -> memref<79x128xi32, #tpu.memory_space<hbm>>
      %dma_start3A_22 = arith.constant 0 : i32
      %dma_start3A_23 = arith.constant 0 : i32
      %dma_start3A_24 = tpu.memref_slice %arg4[%add3A, %dma_start3A_22, %dma_start3A_23] : memref<32x79x128xi32, #tpu.memory_space<hbm>> -> memref<1x79x128xi32, #tpu.memory_space<hbm>>
      %dma_start3A_25 = tpu.memref_squeeze %dma_start3A_24 : memref<1x79x128xi32, #tpu.memory_space<hbm>> -> memref<79x128xi32, #tpu.memory_space<hbm>>
      tpu.enqueue_dma source(%dma_start3A_25 : memref<79x128xi32, #tpu.memory_space<hbm>>) target(%arg8 : memref<79x128xi32, #tpu.memory_space<vmem>>) target_semaphore(%run_scoped3A : memref<!tpu.dma_semaphore, #tpu.memory_space<semaphore_mem>>)
      %dma_wait3A = arith.constant 0 : i32
      %dma_wait3A_26 = arith.constant 0 : i32
      %dma_wait3A_27 = tpu.memref_slice %arg4[%add3A, %dma_wait3A, %dma_wait3A_26] : memref<32x79x128xi32, #tpu.memory_space<hbm>> -> memref<1x79x128xi32, #tpu.memory_space<hbm>>
      %dma_wait3A_28 = tpu.memref_squeeze %dma_wait3A_27 : memref<1x79x128xi32, #tpu.memory_space<hbm>> -> memref<79x128xi32, #tpu.memory_space<hbm>>
      %dma_wait3A_29 = arith.constant 0 : i32
      %dma_wait3A_30 = arith.constant 0 : i32
      %dma_wait3A_31 = tpu.memref_slice %arg4[%add3A, %dma_wait3A_29, %dma_wait3A_30] : memref<32x79x128xi32, #tpu.memory_space<hbm>> -> memref<1x79x128xi32, #tpu.memory_space<hbm>>
      %dma_wait3A_32 = tpu.memref_squeeze %dma_wait3A_31 : memref<1x79x128xi32, #tpu.memory_space<hbm>> -> memref<79x128xi32, #tpu.memory_space<hbm>>
      tpu.wait_dma2 semaphore(%run_scoped3A : memref<!tpu.dma_semaphore, #tpu.memory_space<semaphore_mem>>) src(%dma_wait3A_32 : memref<79x128xi32, #tpu.memory_space<hbm>>) dst(%arg8 : memref<79x128xi32, #tpu.memory_space<vmem>>)
      tpu.yield
    }) : () -> ()
    %barrier3A = arith.constant 0 : index
    tpu.barrier barrier_id(%barrier3A)
    %scan3A_6 = arith.constant 0 : i32
    %scan3A_7 = arith.constant 0 : i32
    %scan3A_8 = arith.constant 79 : i32
    %scan3A_9 = arith.addi %scan3A_7, %scan3A_8 : i32
    %scan3A_10 = arith.constant 1 : i32
    scf.for %scan3A_19 = %scan3A_7 to %scan3A_9 step %scan3A_10  : i32 {
      %dma_start3A = arith.constant 0 : i32
      %dma_start3A_20 = tpu.memref_slice %arg7[%scan3A_19, %dma_start3A] : memref<79x128xi32, #tpu.memory_space<vmem>> -> memref<1x128xi32, #tpu.memory_space<vmem>>
      %dma_start3A_21 = tpu.memref_squeeze %dma_start3A_20 : memref<1x128xi32, #tpu.memory_space<vmem>> -> memref<128xi32, #tpu.memory_space<vmem>>
      %dma_start3A_22 = arith.constant 0 : i32
      %dma_start3A_23 = arith.constant 0 : i32
      %dma_start3A_24 = tpu.memref_slice %arg2[%dma_start3A_22, %dma_start3A_23] : memref<10000x128xf32, #tpu.memory_space<hbm>> -> memref<10000x128xf32, #tpu.memory_space<hbm>>
      tpu.enqueue_indirect_dma source(%dma_start3A_24 : memref<10000x128xf32, #tpu.memory_space<hbm>>) target(%arg9 : memref<128x128xf32, #tpu.memory_space<vmem>>) offsets(%dma_start3A_21 : memref<128xi32, #tpu.memory_space<vmem>>) semaphore(%arg12 : memref<!tpu.dma_semaphore, #tpu.memory_space<semaphore_mem>>)
      %dma_wait3A = arith.constant 0 : i32
      %dma_wait3A_25 = tpu.memref_slice %arg7[%scan3A_19, %dma_wait3A] : memref<79x128xi32, #tpu.memory_space<vmem>> -> memref<1x128xi32, #tpu.memory_space<vmem>>
      %dma_wait3A_26 = tpu.memref_squeeze %dma_wait3A_25 : memref<1x128xi32, #tpu.memory_space<vmem>> -> memref<128xi32, #tpu.memory_space<vmem>>
      %dma_wait3A_27 = arith.constant 0 : i32
      %dma_wait3A_28 = arith.constant 0 : i32
      %dma_wait3A_29 = tpu.memref_slice %arg2[%dma_wait3A_27, %dma_wait3A_28] : memref<10000x128xf32, #tpu.memory_space<hbm>> -> memref<10000x128xf32, #tpu.memory_space<hbm>>
      tpu.wait_indirect_dma semaphore(%arg12 : memref<!tpu.dma_semaphore, #tpu.memory_space<semaphore_mem>>) src(%dma_wait3A_29 : memref<10000x128xf32, #tpu.memory_space<hbm>>) dst(%arg9 : memref<128x128xf32, #tpu.memory_space<vmem>>)
      "tpu.region"() ({
        %run_scoped3A = tpu.sem_alloc : memref<!tpu.dma_semaphore, #tpu.memory_space<semaphore_mem>>
        %dma_start3A_30 = arith.constant 0 : i32
        %dma_start3A_31 = tpu.memref_slice %arg8[%scan3A_19, %dma_start3A_30] : memref<79x128xi32, #tpu.memory_space<vmem>> -> memref<1x128xi32, #tpu.memory_space<vmem>>
        %dma_start3A_32 = tpu.memref_squeeze %dma_start3A_31 : memref<1x128xi32, #tpu.memory_space<vmem>> -> memref<128xi32, #tpu.memory_space<vmem>>
        %dma_start3A_33 = arith.constant 0 : i32
        %dma_start3A_34 = arith.constant 0 : i32
        %dma_start3A_35 = tpu.memref_slice %arg11[%dma_start3A_33, %dma_start3A_34] : memref<10240x128xf32, #tpu.memory_space<vmem_shared>> -> memref<10240x128xf32, #tpu.memory_space<vmem_shared>>
        tpu.enqueue_indirect_dma source(%arg9 : memref<128x128xf32, #tpu.memory_space<vmem>>) target(%dma_start3A_35 : memref<10240x128xf32, #tpu.memory_space<vmem_shared>>) offsets(%dma_start3A_32 : memref<128xi32, #tpu.memory_space<vmem>>) semaphore(%run_scoped3A : memref<!tpu.dma_semaphore, #tpu.memory_space<semaphore_mem>>) {add = true}
        %dma_wait3A_36 = arith.constant 0 : i32
        %dma_wait3A_37 = tpu.memref_slice %arg8[%scan3A_19, %dma_wait3A_36] : memref<79x128xi32, #tpu.memory_space<vmem>> -> memref<1x128xi32, #tpu.memory_space<vmem>>
        %dma_wait3A_38 = tpu.memref_squeeze %dma_wait3A_37 : memref<1x128xi32, #tpu.memory_space<vmem>> -> memref<128xi32, #tpu.memory_space<vmem>>
        %dma_wait3A_39 = arith.constant 0 : i32
        %dma_wait3A_40 = arith.constant 0 : i32
        %dma_wait3A_41 = tpu.memref_slice %arg11[%dma_wait3A_39, %dma_wait3A_40] : memref<10240x128xf32, #tpu.memory_space<vmem_shared>> -> memref<10240x128xf32, #tpu.memory_space<vmem_shared>>
        tpu.wait_indirect_dma semaphore(%run_scoped3A : memref<!tpu.dma_semaphore, #tpu.memory_space<semaphore_mem>>) src(%arg9 : memref<128x128xf32, #tpu.memory_space<vmem>>) dst(%dma_wait3A_41 : memref<10240x128xf32, #tpu.memory_space<vmem_shared>>)
        tpu.yield
      }) : () -> ()
    }
    %scan3A_11 = arith.constant 79 : i32
    %barrier3A_12 = arith.constant 0 : index
    tpu.barrier barrier_id(%barrier3A_12)
    %scan3A_13 = arith.constant 0 : i32
    %scan3A_14 = arith.constant 0 : i32
    %scan3A_15 = arith.constant 5 : i32
    %scan3A_16 = arith.addi %scan3A_14, %scan3A_15 : i32
    %scan3A_17 = arith.constant 1 : i32
    scf.for %scan3A_19 = %scan3A_14 to %scan3A_16 step %scan3A_17  : i32 {
      %mul3A_20 = arith.constant 640 : i32
      %mul3A_21 = arith.muli %arg1, %mul3A_20 : i32
      %mul3A_22 = arith.constant 128 : i32
      %mul3A_23 = arith.muli %scan3A_19, %mul3A_22 : i32
      %add3A_24 = arith.addi %mul3A_21, %mul3A_23 : i32
      "tpu.region"() ({
        %run_scoped3A = tpu.sem_alloc : memref<!tpu.dma_semaphore, #tpu.memory_space<semaphore_mem>>
        %dma_start3A = arith.constant 0 : i32
        %dma_start3A_25 = tpu.memref_slice %arg11[%add3A_24, %dma_start3A] : memref<10240x128xf32, #tpu.memory_space<vmem_shared>> -> memref<128x128xf32, #tpu.memory_space<vmem_shared>>
        %dma_start3A_26 = arith.constant 0 : i32
        %dma_start3A_27 = tpu.memref_slice %arg11[%add3A_24, %dma_start3A_26] : memref<10240x128xf32, #tpu.memory_space<vmem_shared>> -> memref<128x128xf32, #tpu.memory_space<vmem_shared>>
        tpu.enqueue_dma source(%dma_start3A_27 : memref<128x128xf32, #tpu.memory_space<vmem_shared>>) target(%arg9 : memref<128x128xf32, #tpu.memory_space<vmem>>) target_semaphore(%run_scoped3A : memref<!tpu.dma_semaphore, #tpu.memory_space<semaphore_mem>>)
        %dma_wait3A = arith.constant 0 : i32
        %dma_wait3A_28 = tpu.memref_slice %arg11[%add3A_24, %dma_wait3A] : memref<10240x128xf32, #tpu.memory_space<vmem_shared>> -> memref<128x128xf32, #tpu.memory_space<vmem_shared>>
        %dma_wait3A_29 = arith.constant 0 : i32
        %dma_wait3A_30 = tpu.memref_slice %arg11[%add3A_24, %dma_wait3A_29] : memref<10240x128xf32, #tpu.memory_space<vmem_shared>> -> memref<128x128xf32, #tpu.memory_space<vmem_shared>>
        tpu.wait_dma2 semaphore(%run_scoped3A : memref<!tpu.dma_semaphore, #tpu.memory_space<semaphore_mem>>) src(%dma_wait3A_30 : memref<128x128xf32, #tpu.memory_space<vmem_shared>>) dst(%arg9 : memref<128x128xf32, #tpu.memory_space<vmem>>)
        tpu.yield
      }) : () -> ()
      "tpu.region"() ({
        %run_scoped3A = tpu.sem_alloc : memref<!tpu.dma_semaphore, #tpu.memory_space<semaphore_mem>>
        %dma_start3A = arith.constant 0 : i32
        %dma_start3A_25 = tpu.memref_slice %arg6[%arg0, %add3A_24, %dma_start3A] : memref<2x10240x128xf32, #tpu.memory_space<hbm>> -> memref<1x128x128xf32, #tpu.memory_space<hbm>>
        %dma_start3A_26 = tpu.memref_squeeze %dma_start3A_25 : memref<1x128x128xf32, #tpu.memory_space<hbm>> -> memref<128x128xf32, #tpu.memory_space<hbm>>
        %dma_start3A_27 = arith.constant 0 : i32
        %dma_start3A_28 = tpu.memref_slice %arg6[%arg0, %add3A_24, %dma_start3A_27] : memref<2x10240x128xf32, #tpu.memory_space<hbm>> -> memref<1x128x128xf32, #tpu.memory_space<hbm>>
        %dma_start3A_29 = tpu.memref_squeeze %dma_start3A_28 : memref<1x128x128xf32, #tpu.memory_space<hbm>> -> memref<128x128xf32, #tpu.memory_space<hbm>>
        tpu.enqueue_dma source(%arg9 : memref<128x128xf32, #tpu.memory_space<vmem>>) target(%dma_start3A_29 : memref<128x128xf32, #tpu.memory_space<hbm>>) target_semaphore(%run_scoped3A : memref<!tpu.dma_semaphore, #tpu.memory_space<semaphore_mem>>)
        %dma_wait3A = arith.constant 0 : i32
        %dma_wait3A_30 = tpu.memref_slice %arg6[%arg0, %add3A_24, %dma_wait3A] : memref<2x10240x128xf32, #tpu.memory_space<hbm>> -> memref<1x128x128xf32, #tpu.memory_space<hbm>>
        %dma_wait3A_31 = tpu.memref_squeeze %dma_wait3A_30 : memref<1x128x128xf32, #tpu.memory_space<hbm>> -> memref<128x128xf32, #tpu.memory_space<hbm>>
        %dma_wait3A_32 = arith.constant 0 : i32
        %dma_wait3A_33 = tpu.memref_slice %arg6[%arg0, %add3A_24, %dma_wait3A_32] : memref<2x10240x128xf32, #tpu.memory_space<hbm>> -> memref<1x128x128xf32, #tpu.memory_space<hbm>>
        %dma_wait3A_34 = tpu.memref_squeeze %dma_wait3A_33 : memref<1x128x128xf32, #tpu.memory_space<hbm>> -> memref<128x128xf32, #tpu.memory_space<hbm>>
        tpu.wait_dma2 semaphore(%run_scoped3A : memref<!tpu.dma_semaphore, #tpu.memory_space<semaphore_mem>>) src(%arg9 : memref<128x128xf32, #tpu.memory_space<vmem>>) dst(%dma_wait3A_34 : memref<128x128xf32, #tpu.memory_space<hbm>>)
        tpu.yield
      }) : () -> ()
    }
    %scan3A_18 = arith.constant 5 : i32
    return
  }
}

</mosaic_0001>

<sc_bundles>
// kernel: _edge_agg.3.cloned.1.call-start
scs
__scs_entry_jumppad:
0x0: {  	(pc) =	sbr.rel $0x88, $3  }
0x1: {  	(tag) =	ssettag $0x0;
	lr =	simm.s32 $0x1  }
0x2: {  	[smem:$0x3F9E] =	sst lr;
	_ =	strace $0xD0000000  }
0x3: {  	_ = 	snop  }
0x4: {  	_ = 	snop  }
0x5: {  	_ = 	snop  }
0x6: {  	_ = 	snop  }
0x7: {  	_ = 	snop  }
__scs_overlays_trampoline_lowered:
0x8: {  	[smem:$0x3FAD] =	sst s0  }
0x9: {  	[smem:$0x3FAE] =	sst s1  }
0xa: {  	[smem:$0x3FAF] =	sst s2  }
0xb: {  	[smem:$0x3FB0] =	sst s3  }
0xc: {  	[smem:$0x3FB1] =	sst s4  }
0xd: {  	[smem:$0x3FB2] =	sst s5  }
0xe: {  	[smem:$0x3FB3] =	sst s6  }
0xf: {  	[smem:$0x3FB4] =	sst s7  }
0x10: {  	[smem:$0x3FB5] =	sst s8  }
0x11: {  	[smem:$0x3FB6] =	sst s9;
	s0 =	simm.s32 @!p0 $0x0  }
0x12: {  	s1 =	sld [smem:$0x3F9C];
	s0 =	simm.s32 @p0 $0x1  }
0x13: {  	[smem:$0x3FB7] =	sst s0;
	s0 =	simm.s32 @!p1 $0x0  }
0x14: {  	s2 =	sld [smem:$0x3F9B];
	s0 =	simm.s32 @p1 $0x1  }
0x15: {  	[smem:$0x3FB8] =	sst s0;
	s0 =	simm.s32 @!p2 $0x0  }
0x16: {  	s3 =	sld [smem:$0x3FDB];
	s0 =	simm.s32 @p2 $0x1  }
0x17: {  	s4 =	simm.s32 $0x1BF5;
	[smem:$0x3FBA] =	sst s0  }
0x18: {  	s0 =	sld [smem:$0x3F9D];
	_ =	swait.ge [sflag:s4], $0x0  }
0x19: {  	s7 =	sld [smem:$0x3F9E]  }
0x1a: {  	s8 =	sadd.s32 $0xFFFFE003, lr  }
0x1b: {  	s9 =	sadd.s32 $0xFFFFFEF7, lr;
	s5 =	simm.s32 $0xFFFFFFFF;
	p2 =	slt.u32 s8, $0xFFFFF086  }
0x1c: {  	p1 =	slt.u32 s9, $0xF7A;
	s5 =	simm.s32 @!p2 $0x0  }
0x1d: {  	s5 =	simm.s32 @p1 $0x1;
	p0 =	seq.s32 s7, s2  }
0x1e: {  	s7 =	smul.u32 @!p0 $0xF7A, s2;
	p2 =	seq.s32 @!p0 s5, $0x0  }
0x1f: {  	s9 =	smul.u32 $0xF7A, s1;
	s8 =	simm.s32 @!p0 $0x1BF5;
	p2 =	por !p2, p0  }
0x20: {  	[sflag:s8] =	ssyncset.s32 @!p0 $0xFFFFF086;
	s6 =	sadd.s32 @!p0 s3, s7;
	s7 =	simm.s32 @!p0 $0x108  }
0x21: {  	s3 =	sadd.s32 s3, s9;
	s6 =	sadd.s32 @!p0 $0x88, s6;
	s7 =	simm.s32 @p2 $0x1082  }
0x22: {  	[simem:s7], [sflag:s8] =	dma.local @!p0 [hbm:s6], $0xF7A  }
0x23: {  	s9 =	sor.u32 $0xD0000000, s2;
	s6 =	simm.s32 $0x108;
	_ =	swait.ge @!p0 [sflag:s8], $0x0  }
0x24: {  	s3 =	sadd.s32 $0x88, s3;
	s6 =	simm.s32 @!p1 $0x1082;
	[sflag:s4] =	ssyncset.s32 $0xFFFFF086  }
0x25: {  	[simem:s6], [sflag:s4] =	dma.local [hbm:s3], $0xF7A  }
0x26: {  	[smem:$0x3F9E] =	sst s1;
	(tag) =	ssettag s2;
	_ =	strace s9  }
0x27: {  	s1 =	sld [smem:$0x3FAE]  }
0x28: {  	s2 =	sld [smem:$0x3FAF]  }
0x29: {  	s4 =	sld [smem:$0x3FB1]  }
0x2a: {  	p0 =	seq.s32 s5, $0x0;
	s5 =	sld [smem:$0x3FB2]  }
0x2b: {  	s6 =	sld [smem:$0x3FB3]  }
0x2c: {  	s7 =	sld [smem:$0x3FB4]  }
0x2d: {  	s3 =	simm.s32 $0x108;
	s8 =	sld [smem:$0x3FB5]  }
0x2e: {  	s3 =	simm.s32 @!p0 $0x1082;
	s9 =	sld [smem:$0x3FB6]  }
0x2f: {  	lr =	sadd.s32 s0, s3;
	s0 =	sld [smem:$0x3FAD]  }
0x30: {  	s3 =	sld [smem:$0x3FB0]  }
0x31: {  	[smem:$0x3FB9] =	sst s10  }
0x32: {  	s10 =	sld [smem:$0x3FB7];
	_ =	sdelay $0x3  }
0x33: {  	p0 =	seq.s32 s10, $0x1;
	s10 =	sld [smem:$0x3FB9];
	_ =	sdelay $0x3  }
0x34: {  	[smem:$0x3FB9] =	sst s10  }
0x35: {  	s10 =	sld [smem:$0x3FB8];
	_ =	sdelay $0x3  }
0x36: {  	p1 =	seq.s32 s10, $0x1;
	s10 =	sld [smem:$0x3FB9];
	_ =	sdelay $0x3  }
0x37: {  	[smem:$0x3FB9] =	sst s10  }
0x38: {  	s10 =	sld [smem:$0x3FBA]  }
0x39: {  	_ = 	snop;
	(pc) =	sbr.ind lr, $3  }
0x3a: {  	_ = 	snop  }
0x3b: {  	_ = 	snop  }
0x3c: {  	p2 =	seq.s32 s10, $0x1;
	s10 =	sld [smem:$0x3FB9]  }
0x3d: {  	_ =	shalt  }
0x3e: {  	_ =	shalt  }
0x3f: {  	_ =	shalt  }
0x40: {  	_ =	shalt  }
0x41: {  	_ =	shalt  }
0x42: {  	_ =	shalt  }
0x43: {  	_ =	shalt  }
0x44: {  	_ =	shalt  }
0x45: {  	_ =	shalt  }
0x46: {  	_ =	shalt  }
0x47: {  	_ =	shalt  }
0x48: {  	_ =	shalt  }
0x49: {  	_ =	shalt  }
0x4a: {  	_ =	shalt  }
0x4b: {  	_ =	shalt  }
0x4c: {  	_ =	shalt  }
0x4d: {  	_ =	shalt  }
0x4e: {  	_ =	shalt  }
0x4f: {  	_ =	shalt  }
0x50: {  	_ =	shalt  }
0x51: {  	_ =	shalt  }
0x52: {  	_ =	shalt  }
0x53: {  	_ =	shalt  }
0x54: {  	_ =	shalt  }
0x55: {  	_ =	shalt  }
0x56: {  	_ =	shalt  }
0x57: {  	_ =	shalt  }
0x58: {  	_ =	shalt  }
0x59: {  	_ =	shalt  }
0x5a: {  	_ =	shalt  }
0x5b: {  	_ =	shalt  }
0x5c: {  	_ =	shalt  }
0x5d: {  	_ =	shalt  }
0x5e: {  	_ =	shalt  }
0x5f: {  	_ =	shalt  }
0x60: {  	_ =	shalt  }
0x61: {  	_ =	shalt  }
0x62: {  	_ =	shalt  }
0x63: {  	_ =	shalt  }
0x64: {  	_ =	shalt  }
0x65: {  	_ =	shalt  }
0x66: {  	_ =	shalt  }
0x67: {  	_ =	shalt  }
0x68: {  	_ =	shalt  }
0x69: {  	_ =	shalt  }
0x6a: {  	_ =	shalt  }
0x6b: {  	_ =	shalt  }
0x6c: {  	_ =	shalt  }
0x6d: {  	_ =	shalt  }
0x6e: {  	_ =	shalt  }
0x6f: {  	_ =	shalt  }
0x70: {  	_ =	shalt  }
0x71: {  	_ =	shalt  }
0x72: {  	_ =	shalt  }
0x73: {  	_ =	shalt  }
0x74: {  	_ =	shalt  }
0x75: {  	_ =	shalt  }
0x76: {  	_ =	shalt  }
0x77: {  	_ =	shalt  }
0x78: {  	_ =	shalt  }
0x79: {  	_ =	shalt  }
0x7a: {  	_ =	shalt  }
0x7b: {  	_ =	shalt  }
0x7c: {  	_ =	shalt  }
0x7d: {  	_ =	shalt  }
0x7e: {  	_ =	shalt  }
0x7f: {  	_ =	shalt  }
0x80: {  	_ =	shalt  }
0x81: {  	_ =	shalt  }
0x82: {  	_ =	shalt  }
0x83: {  	_ =	shalt  }
0x84: {  	_ =	shalt  }
0x85: {  	_ =	shalt  }
0x86: {  	_ =	shalt  }
0x87: {  	_ =	shalt  }
.Lfunc_end0:
.L_simem_size_0:
called_computation_lowered:
.L_overlay_start_0:
0x88: {  	s2 =	sld [smem:$0x3FD9]  }
0x89: {  	s3 =	sld [smem:$0x3FFE];
	_ =	sdelay $0x1  }
0x8a: {  	s1 =	srdreg.scid  }
0x8b: {  	s0 =	sand.u32 $0x1, s1  }
0x8c: {  	s17 =	sshll.u32 s0, $0xA;
	s2 =	sadd.s32 s3, s2  }
0x8d: {  	s2 =	sadd.s32 s2, s17  }
0x8e: {  	[smem:$0x3FC5] =	sst s2  }
0x8f: {  	_ = 	snop  }
0x90: {  	s2 =	sld [smem:$0x3FC9]  }
0x91: {  	s18 =	sld [smem:$0x3FD0];
	(tm) =	ssettm $0x1  }
0x92: {  	s4 =	sld [smem:$0x3FFB];
	_ =	sdelay $0x3  }
0x93: {  	_ =	strace s4  }
0x94: {  	s4 =	sld [smem:$0x3FFC];
	_ =	sdelay $0x3  }
0x95: {  	_ =	strace s4  }
0x96: {  	s4 =	sld [smem:$0x3FFD];
	_ =	sdelay $0x3  }
0x97: {  	_ =	strace s4  }
0x98: {  	_ =	strace $0x8FFFFFFF  }
0x99: {  	s19 =	sld [smem:$0x3FDB];
	_ =	sdelay $0x1  }
0x9a: {  	s5 =	simm.s32 $_scs_section_size  }
0x9b: {  	s6 =	simm.s32 $_size__tile_overlayer_lowered;
	s7 =	simm.s32 $_tile_overlayer_lowered  }
0x9c: {  	s22 =	simm.s32 $0x1BFF;
	s21 =	sshll.u32 s7, $0x1;
	s4 =	sadd.s32 s5, s19  }
0x9d: {  	s8 =	simm.s32 $0x0;
	s20 =	sshll.u32 s6, $0x1;
	s6 =	sadd.s32 s21, s4  }
0x9e: {  	[timem:s8], [sflag:s22] =	dma.local [hbm:s6], s20  }
0x9f: {  	_ =	swait.ge [sflag:s22], s20  }
0xa0: {  	s5 =	ssub.s32 $0x0, s20;
	[sflag:s22] =	ssyncset.done $0x0  }
0xa1: {  	[sflag:s22] =	ssyncadd.s32 s5;
	_ =	sdelay $0x1  }
0xa2: {  	s23 =	simm.s32 $0x1B8B  }
0xa3: {  	_ =	swait.ge [sflag:s23], $0x1  }
0xa4: {  	[sflag:s23] =	ssyncset.done $0x0  }
0xa5: {  	s25 =	simm.s32 $0x1B8E;
	s24 =	sld [smem:$0x3FFE];
	[sflag:s23] =	ssyncadd.s32 $0xFFFFFFFF  }
0xa6: {  	s26 =	simm.s32 $execute0_lowered;
	[smem:$0x3FD2] =	sst s25  }
0xa7: {  	s6 =	sshll.u32 s26, $0x1;
	_ =	strace $0x80000046;
	[dreg:$0x1] =	wrdreg $0xFFFFFFFF  }
0xa8: {  	s28 =	simm.s32 $_size_execute0_lowered;
	s4 =	sadd.s32 s4, s6;
	[dreg:$0x0] =	wrdreg $0x0  }
0xa9: {  	s6 =	sshll.u32 s28, $0x1;
	[dreg:$0x2] =	wrdreg s4  }
0xaa: {  	[dreg:$0x3] =	wrdreg s6  }
0xab: {  	[dreg:$0x4] =	wrdreg $0xC0  }
0xac: {  	_ =	task [dreg:s8], $0x5FFFF  }
0xad: {  	[dreg:$0x1] =	wrdreg $0xFFFFFFFF  }
0xae: {  	[dreg:$0x0] =	wrdreg $0x60  }
0xaf: {  	[dreg:$0x2] =	wrdreg s2  }
0xb0: {  	[dreg:$0x3] =	wrdreg s24  }
0xb1: {  	[dreg:$0x4] =	wrdreg s18  }
0xb2: {  	[dreg:$0x5] =	wrdreg $0xB0000  }
0xb3: {  	[dreg:$0x6] =	wrdreg $0x9  }
0xb4: {  	_ =	task.clear_ibuf [dreg:s8], $0x7FFFF;
	_ =	strace $0x90000046  }
0xb5: {  	s29 =	simm.s32 $0x9;
	_ =	strace $0x80000048  }
0xb6: {  	_ =	swait.ge [sflag:s29], $0x1  }
0xb7: {  	[sflag:s29] =	ssyncadd.s32 $0xFFFFFFFF  }
0xb8: {  	_ =	strace $0x90000048  }
0xb9: {  	_ =	sfence  }
0xba: {  	s30 =	sld [smem:$0x0];
	_ =	sdelay $0x2  }
0xbb: {  	s31 =	sshll.u32 s1, $0xD;
	s1 =	sshrl.u32 s1, $0x2  }
0xbc: {  	s3 =	sand.u32 $0x4000, s31;
	s1 =	sadd.s32 s1, s30  }
0xbd: {  	s0 =	sor.u32 s3, s0;
	s1 =	sshll.u32 s1, $0x11  }
0xbe: {  	s0 =	sor.u32 s1, s0  }
0xbf: {  	s0 =	sadd.s32 $0x8F2B, s0  }
0xc0: {  	[sflag:s0] =	ssyncadd.remote.s32 $0x1  }
0xc1: {  	_ =	sfence.sel $0xFFFF  }
0xc2: {  	[dreg:$0x0] =	wrdreg $0xFFFFFFFF;
	(pc) =	sbr.abs _section_cstart, $3  }
0xc3: {  	[dreg:$0x1] =	wrdreg $0xFFFFFFFF  }
0xc4: {  	_ =	task.clear_ibuf [dreg:s8], $0x2FFFF;
	_ =	strace $0x9FFFFFFF  }
0xc5: {  	(tm) =	ssettm $0x7FFFFFFF  }
tec
execute0_lowered:
.L_overlay_start_1:
0x0: {  	(tag) =	ssettag $0x1  }
0x1: {  	s1 =	rddreg [dreg:$0x0]  }
0x2: {  	s0 =	rddreg [dreg:$0x1]  }
0x3: {  	s2 =	srdreg.scid;
	s5 =	rddreg [dreg:$0x2]  }
0x4: {  	s10 =	stileid.u32;
	s3 =	rddreg [dreg:$0x3]  }
0x5: {  	s29 =	simm.s32 $0x9000;
	s30 =	simm.s32 $0x2;
	s8 =	smul.u32 $0x50000, s10  }
0x6: {  	s2 =	sand.u32 $0x1, s2;
	s4 =	sshll.u32 s10, $0x1;
	s20 =	smul.u32 $0x14000, s10  }
0x7: {  	s6 =	sor.u32 s2, s4;
	s7 =	ssub.s32 $0x2, s2;
	s2 =	smul.u32 $0x140000, s2  }
0x8: {  	s31 =	simm.s32 $0x1;
	s4 =	simm.s32 $0x0;
	s6 =	smul.u32 $0x500, s6  }
0x9: {  	[smem:$0x7FF] =	sst s4;
	s15 =	sshrl.u32 s7, $0x1;
	s17 =	sshrl.u32 s8, $0x2  }
0xa: {  	s23 =	sadd.s32 $0x4000, s20;
	s26 =	sadd.s32 $0x8000, s20;
	s24 =	sadd.s32 $0xC000, s20  }
0xb: {  	_ =	strace $0x80000047;
	s16 =	ssub.s32 s7, s15;
	s22 =	sadd.s32 s2, s20  }
0xc: {  	s9 =	sadd.s32 s6, s0;
	s0 =	sadd.s32 $0x14600, s0;
	s6 =	sadd.s32 s17, s3  }
0xd: {  	s7 =	sshrl.u32 s22, $0x3;
	s17 =	sadd.s32 s2, s23;
	s22 =	sadd.s32 s23, s3  }
0xe: {  	s23 =	sadd.s32 s26, s3;
	[dreg:$0x5] =	wrdreg s0;
	s18 =	sadd.s32 $0x600, s9  }
0xf: {  	s19 =	sadd.s32 $0xA600, s9;
	s0 =	smax.u32 s16, $0x1;
	s21 =	sadd.s32 $0x2000, s6  }
0x10: {  	s11 =	sadd.s32 $0x4000, s6;
	s12 =	sadd.s32 $0x6000, s6;
	[dreg:$0x6] =	wrdreg s18  }
0x11: {  	s13 =	sadd.s32 $0x8000, s6;
	s14 =	sadd.s32 $0xA000, s6;
	[dreg:$0x7] =	wrdreg s19  }
0x12: {  	s15 =	sadd.s32 $0xC000, s6;
	s16 =	sadd.s32 s5, s7;
	[dreg:$0x8] =	wrdreg s0  }
0x13: {  	s25 =	sshrl.u32 s17, $0x3;
	s28 =	sadd.s32 $0x12000, s6;
	[dreg:$0x9] =	wrdreg s21  }
0x14: {  	s17 =	sadd.s32 s5, s25;
	s18 =	sadd.s32 s2, s26;
	s19 =	sadd.s32 s2, s24  }
0x15: {  	s0 =	sadd.s32 $0x10000, s20;
	s21 =	sadd.s32 $0xE000, s6;
	s24 =	sadd.s32 s24, s3  }
0x16: {  	s26 =	sadd.s32 $0x10000, s6;
	s18 =	sshrl.u32 s18, $0x3;
	s19 =	sshrl.u32 s19, $0x3  }
0x17: {  	s2 =	sadd.s32 s2, s0;
	s25 =	sadd.s32 s0, s3;
	s0 =	simm.s32 $0x5000  }
0x18: {  	s18 =	sadd.s32 s5, s18;
	s19 =	sadd.s32 s5, s19;
	s2 =	sshrl.u32 s2, $0x3  }
0x19: {  	s20 =	sadd.s32 s5, s2;
	s2 =	simm.s32 $0x80;
	s5 =	simm.s32 $0x0  }
.LBB2_1:
0x1a: {  	s7 =	rddreg [dreg:$0x5]  }
0x1b: {  	[tilespmem:s29], [sflag:$0x2] =	stream.linear.gather [hbm4b:s7+s4], $0x2000, $0x38;
	[tilespmem:$0x1F000] =	vst v63  }
0x1c: {  	_ =	swait.ge [sflag:s30], $0x2000  }
0x1d: {  	[sflag:s30] =	ssyncset.done $0x0  }
0x1e: {  	[sflag:s30] =	ssyncadd.s32 $0xFFFFE000  }
0x1f: {  	[spmem:s6] =	stream.linear.scatter [tilespmem:s29], [sflag:$0x2], $0x2000, $0x38;
	[tilespmem:$0x1F000] =	vst v63  }
0x20: {  	_ =	swait.ge [sflag:s30], $0x2000  }
0x21: {  	[sflag:s30] =	ssyncset.done $0x0  }
0x22: {  	s8 =	rddreg [dreg:$0x9];
	[sflag:s30] =	ssyncadd.s32 $0xFFFFE000  }
0x23: {  	[spmem:s8] =	stream.linear.scatter [tilespmem:s29], [sflag:$0x2], $0x2000, $0x38;
	[tilespmem:$0x1F000] =	vst v63  }
0x24: {  	_ =	swait.ge [sflag:s30], $0x2000  }
0x25: {  	[sflag:s30] =	ssyncset.done $0x0  }
0x26: {  	[sflag:s30] =	ssyncadd.s32 $0xFFFFE000  }
0x27: {  	[spmem:s11] =	stream.linear.scatter [tilespmem:s29], [sflag:$0x2], $0x2000, $0x38;
	[tilespmem:$0x1F000] =	vst v63  }
0x28: {  	_ =	swait.ge [sflag:s30], $0x2000  }
0x29: {  	[sflag:s30] =	ssyncset.done $0x0  }
0x2a: {  	[sflag:s30] =	ssyncadd.s32 $0xFFFFE000  }
0x2b: {  	[spmem:s12] =	stream.linear.scatter [tilespmem:s29], [sflag:$0x2], $0x2000, $0x38;
	[tilespmem:$0x1F000] =	vst v63  }
0x2c: {  	_ =	swait.ge [sflag:s30], $0x2000  }
0x2d: {  	[sflag:s30] =	ssyncset.done $0x0  }
0x2e: {  	[sflag:s30] =	ssyncadd.s32 $0xFFFFE000  }
0x2f: {  	[spmem:s13] =	stream.linear.scatter [tilespmem:s29], [sflag:$0x2], $0x2000, $0x38;
	[tilespmem:$0x1F000] =	vst v63  }
0x30: {  	_ =	swait.ge [sflag:s30], $0x2000  }
0x31: {  	[sflag:s30] =	ssyncset.done $0x0  }
0x32: {  	[sflag:s30] =	ssyncadd.s32 $0xFFFFE000  }
0x33: {  	[spmem:s14] =	stream.linear.scatter [tilespmem:s29], [sflag:$0x2], $0x2000, $0x38;
	[tilespmem:$0x1F000] =	vst v63  }
0x34: {  	_ =	swait.ge [sflag:s30], $0x2000  }
0x35: {  	[sflag:s30] =	ssyncset.done $0x0  }
0x36: {  	[sflag:s30] =	ssyncadd.s32 $0xFFFFE000  }
0x37: {  	[spmem:s15] =	stream.linear.scatter [tilespmem:s29], [sflag:$0x2], $0x2000, $0x38;
	[tilespmem:$0x1F000] =	vst v63  }
0x38: {  	_ =	swait.ge [sflag:s30], $0x2000  }
0x39: {  	[sflag:s30] =	ssyncset.done $0x0  }
0x3a: {  	[sflag:s30] =	ssyncadd.s32 $0xFFFFE000  }
0x3b: {  	[spmem:s21] =	stream.linear.scatter [tilespmem:s29], [sflag:$0x2], $0x2000, $0x38;
	[tilespmem:$0x1F000] =	vst v63  }
0x3c: {  	_ =	swait.ge [sflag:s30], $0x2000  }
0x3d: {  	[sflag:s30] =	ssyncset.done $0x0  }
0x3e: {  	[sflag:s30] =	ssyncadd.s32 $0xFFFFE000  }
0x3f: {  	[spmem:s26] =	stream.linear.scatter [tilespmem:s29], [sflag:$0x2], $0x2000, $0x38;
	[tilespmem:$0x1F000] =	vst v63  }
0x40: {  	_ =	swait.ge [sflag:s30], $0x2000  }
0x41: {  	[sflag:s30] =	ssyncset.done $0x0  }
0x42: {  	[sflag:s30] =	ssyncadd.s32 $0xFFFFE000  }
0x43: {  	[spmem:s28] =	stream.linear.scatter [tilespmem:s29], [sflag:$0x2], $0x2000, $0x38;
	[tilespmem:$0x1F000] =	vst v63  }
0x44: {  	_ =	swait.ge [sflag:s30], $0x2000  }
0x45: {  	[sflag:s30] =	ssyncset.done $0x0  }
0x46: {  	s9 =	rddreg [dreg:$0x6];
	[sflag:s30] =	ssyncadd.s32 $0xFFFFE000  }
0x47: {  	[tilespmem:s4], [sflag:$0x2] =	stream.linear.gather [hbm4b:s9+s4], $0x2780, $0x38;
	[tilespmem:$0x1F000] =	vst v63  }
0x48: {  	_ =	swait.ge [sflag:s30], $0x2780  }
0x49: {  	[sflag:s30] =	ssyncset.done $0x0  }
0x4a: {  	s8 =	simm.s32 $0x2800;
	s10 =	rddreg [dreg:$0x7];
	[sflag:s30] =	ssyncadd.s32 $0xFFFFD880  }
0x4b: {  	[tilespmem:s8], [sflag:$0x2] =	stream.linear.gather [hbm4b:s10+s4], $0x2780, $0x38;
	[tilespmem:$0x1F000] =	vst v63  }
0x4c: {  	_ =	swait.ge [sflag:s30], $0x2780  }
0x4d: {  	[sflag:s30] =	ssyncset.done $0x0  }
0x4e: {  	[sflag:s30] =	ssyncadd.s32 $0xFFFFD880  }
0x4f: {  	s9 =	simm.s32 $0x0;
	[bflag:$0x0] =	sbarrier.arrive $0xFFFF  }
0x50: {  	[tilespmem:s0], [sflag:$0x1] =	stream.indirect.gather [hbm4b:s1+s2], $0x80, s9, s2, $0xb8;
	[tilespmem:$0x1F000] =	vst v63  }
0x51: {  	_ =	swait.ge [sflag:s31], $0x4000  }
0x52: {  	[sflag:s31] =	ssyncset.done $0x0  }
0x53: {  	s10 =	simm.s32 $0x2800;
	[sflag:s31] =	ssyncadd.s32 $0xFFFFC000  }
0x54: {  	[spmem:s3] =	stream.indirect.scatter.add.f32 [tilespmem:s0], [sflag:$0x2], $0x80, s10, s2, $0xb8;
	[tilespmem:$0x1F000] =	vst v63  }
0x55: {  	_ =	swait.ge [sflag:s30], $0x4000  }
0x56: {  	s7 =	simm.s32 $0x200;
	s8 =	simm.s32 $0x400;
	[sflag:s30] =	ssyncset.done $0x0  }
.LBB2_2:
0x57: {  	s9 =	sshra.s32 s7, $0x2  }
0x58: {  	[sflag:s30] =	ssyncadd.s32 $0xFFFFC000;
	s7 =	smov.u32 s8;
	s10 =	sadd.s32 $0x200, s8  }
0x59: {  	[tilespmem:s0], [sflag:$0x1] =	stream.indirect.gather [hbm4b:s1+s2], $0x80, s9, s2, $0xb8;
	[tilespmem:$0x1F000] =	vst v63  }
0x5a: {  	p0 =	sne.s32 s8, $0x9C00;
	_ =	swait.ge [sflag:s31], $0x4000  }
.Ltmp0:
0x5b: {  	[sflag:s31] =	ssyncset.done $0x0;
	(pc) =	sbr.rel @p0 .LBB2_2-.Ltmp0, $4  }
0x5c: {  	s8 =	sadd.s32 $0x2800, s9;
	[sflag:s31] =	ssyncadd.s32 $0xFFFFC000  }
0x5d: {  	[spmem:s3] =	stream.indirect.scatter.add.f32 [tilespmem:s0], [sflag:$0x2], $0x80, s8, s2, $0xb8;
	[tilespmem:$0x1F000] =	vst v63  }
0x5e: {  	_ =	swait.ge [sflag:s30], $0x4000  }
0x5f: {  	s8 =	smov.u32 s10;
	[sflag:s30] =	ssyncset.done $0x0  }
0x60: {  	s7 =	sshra.s32 s7, $0x2;
	[sflag:s30] =	ssyncadd.s32 $0xFFFFC000  }
0x61: {  	[tilespmem:s0], [sflag:$0x1] =	stream.indirect.gather [hbm4b:s1+s2], $0x80, s7, s2, $0xb8;
	[tilespmem:$0x1F000] =	vst v63  }
0x62: {  	_ =	swait.ge [sflag:s31], $0x4000  }
0x63: {  	[sflag:s31] =	ssyncset.done $0x0  }
0x64: {  	s7 =	sadd.s32 $0x2800, s7;
	[sflag:s31] =	ssyncadd.s32 $0xFFFFC000  }
0x65: {  	[spmem:s3] =	stream.indirect.scatter.add.f32 [tilespmem:s0], [sflag:$0x2], $0x80, s7, s2, $0xb8;
	[tilespmem:$0x1F000] =	vst v63  }
0x66: {  	_ =	swait.ge [sflag:s30], $0x4000  }
0x67: {  	[sflag:s30] =	ssyncset.done $0x0  }
0x68: {  	[sflag:s30] =	ssyncadd.s32 $0xFFFFC000  }
0x69: {  	[bflag:$0x0] =	sbarrier.arrive $0xFFFF  }
0x6a: {  	[tilespmem:s0], [sflag:$0x2] =	stream.linear.gather [spmem:s6], $0x4000, $0x38;
	[tilespmem:$0x1F000] =	vst v63  }
0x6b: {  	_ =	swait.ge [sflag:s30], $0x4000  }
0x6c: {  	[sflag:s30] =	ssyncset.done $0x0  }
0x6d: {  	[sflag:s30] =	ssyncadd.s32 $0xFFFFC000  }
0x6e: {  	[hbm4b:s16+s4] =	stream.linear.scatter [tilespmem:s0], [sflag:$0x2], $0x4000, $0x38;
	[tilespmem:$0x1F000] =	vst v63  }
0x6f: {  	_ =	swait.ge [sflag:s30], $0x4000  }
0x70: {  	[sflag:s30] =	ssyncset.done $0x0  }
0x71: {  	[sflag:s30] =	ssyncadd.s32 $0xFFFFC000  }
0x72: {  	[tilespmem:s0], [sflag:$0x2] =	stream.linear.gather [spmem:s22], $0x4000, $0x38;
	[tilespmem:$0x1F000] =	vst v63  }
0x73: {  	_ =	swait.ge [sflag:s30], $0x4000  }
0x74: {  	[sflag:s30] =	ssyncset.done $0x0  }
0x75: {  	[sflag:s30] =	ssyncadd.s32 $0xFFFFC000  }
0x76: {  	[hbm4b:s17+s4] =	stream.linear.scatter [tilespmem:s0], [sflag:$0x2], $0x4000, $0x38;
	[tilespmem:$0x1F000] =	vst v63  }
0x77: {  	_ =	swait.ge [sflag:s30], $0x4000  }
0x78: {  	[sflag:s30] =	ssyncset.done $0x0  }
0x79: {  	[sflag:s30] =	ssyncadd.s32 $0xFFFFC000  }
0x7a: {  	[tilespmem:s0], [sflag:$0x2] =	stream.linear.gather [spmem:s23], $0x4000, $0x38;
	[tilespmem:$0x1F000] =	vst v63  }
0x7b: {  	_ =	swait.ge [sflag:s30], $0x4000  }
0x7c: {  	[sflag:s30] =	ssyncset.done $0x0  }
0x7d: {  	[sflag:s30] =	ssyncadd.s32 $0xFFFFC000  }
0x7e: {  	[hbm4b:s18+s4] =	stream.linear.scatter [tilespmem:s0], [sflag:$0x2], $0x4000, $0x38;
	[tilespmem:$0x1F000] =	vst v63  }
0x7f: {  	_ =	swait.ge [sflag:s30], $0x4000  }
0x80: {  	[sflag:s30] =	ssyncset.done $0x0  }
0x81: {  	[sflag:s30] =	ssyncadd.s32 $0xFFFFC000  }
0x82: {  	[tilespmem:s0], [sflag:$0x2] =	stream.linear.gather [spmem:s24], $0x4000, $0x38;
	[tilespmem:$0x1F000] =	vst v63  }
0x83: {  	_ =	swait.ge [sflag:s30], $0x4000  }
0x84: {  	[sflag:s30] =	ssyncset.done $0x0  }
0x85: {  	[sflag:s30] =	ssyncadd.s32 $0xFFFFC000  }
0x86: {  	[hbm4b:s19+s4] =	stream.linear.scatter [tilespmem:s0], [sflag:$0x2], $0x4000, $0x38;
	[tilespmem:$0x1F000] =	vst v63  }
0x87: {  	_ =	swait.ge [sflag:s30], $0x4000  }
0x88: {  	[sflag:s30] =	ssyncset.done $0x0  }
0x89: {  	[sflag:s30] =	ssyncadd.s32 $0xFFFFC000  }
0x8a: {  	[tilespmem:s0], [sflag:$0x2] =	stream.linear.gather [spmem:s25], $0x4000, $0x38;
	[tilespmem:$0x1F000] =	vst v63  }
0x8b: {  	_ =	swait.ge [sflag:s30], $0x4000  }
0x8c: {  	[sflag:s30] =	ssyncset.done $0x0  }
0x8d: {  	[sflag:s30] =	ssyncadd.s32 $0xFFFFC000  }
0x8e: {  	[hbm4b:s20+s4] =	stream.linear.scatter [tilespmem:s0], [sflag:$0x2], $0x4000, $0x38;
	[tilespmem:$0x1F000] =	vst v63  }
0x8f: {  	_ =	swait.ge [sflag:s30], $0x4000  }
0x90: {  	s5 =	sadd.s32 $0x1, s5;
	s10 =	rddreg [dreg:$0x8]  }
0x91: {  	p0 =	sne.s32 s5, s10  }
.Ltmp1:
0x92: {  	_ = 	snop;
	(pc) =	sbr.rel @p0 .LBB2_1-.Ltmp1, $3  }
0x93: {  	_ =	sdelay $0x1  }
0x94: {  	[sflag:s30] =	ssyncset.done $0x0  }
0x95: {  	[sflag:s30] =	ssyncadd.s32 $0xFFFFC000  }
0x96: {  	_ =	sfence.sel $0x180000  }
0x97: {  	[bflag:$0x0] =	sbarrier.arrive $0xFFFF  }
0x98: {  	_ =	strace $0x90000047  }
0x99: {  	s0 =	stileid.u32;
	[bflag:$0x2] =	sbarrier.arrive $0xFFFF  }
0x9a: {  	p0 =	sne.s32 s0, $0x0;
	s0 =	rddreg [dreg:$0x4]  }
0x9b: {  	s0 =	sadd.s32 @!p0 $0x100000, s0  }
0x9c: {  	[sflag:s0] =	ssyncadd.tile.s32 @!p0 $0x1;
	_ =	shalt  }
.Lfunc_end2:
_tile_overlayer_lowered:
.L_overlay_start_2:
0x9d: {  	(tag) =	ssettag $0x2  }
0x9e: {  	s0 =	rddreg [dreg:$0x0];
	s2 =	stileid.u32  }
0x9f: {  	s1 =	rddreg [dreg:$0x1];
	p0 =	sne.s32 s2, $0x0  }
0xa0: {  	s3 =	rddreg [dreg:$0x2];
	[bflag:$0x3] =	sbarrier.arrive $0xFFFF;
	s2 =	simm.s32 @!p0 $0x1C02  }
0xa1: {  	[timem:s3], [sflag:s2] =	dma.local @!p0 [hbm:s0], s1  }
0xa2: {  	s0 =	simm.s32 @!p0 $0x2  }
0xa3: {  	_ =	swait.ge @!p0 [sflag:s0], s1  }
0xa4: {  	s1 =	ssub.s32 @!p0 $0x0, s1;
	[sflag:s0] =	ssyncset.done @!p0 $0x0  }
0xa5: {  	[sflag:s0] =	ssyncadd.s32 @!p0 s1  }
0xa6: {  	[bflag:$0x3] =	sbarrier.arrive $0xFFFF  }
0xa7: {  	_ =	shalt  }

</sc_bundles>
